<compile_context>
chip_gen: v7x
topology: tpu7x:2x2x1
jax: 0.10.2.dev20260603
libtpu: 0.0.44.dev20260713+nightly
codegen_flags: <defaults>
</compile_context>

<pallas_src>
import functools

import jax
import jax.numpy as jnp
import numpy as np
from jax import lax
from jax.experimental import pallas as pl
from jax.experimental.pallas import tpu as pltpu
from jax.experimental.pallas import tpu_sc as plsc

_OFFSETS = np.array([0, 6, 12, 15, 25, 32, 40, 42, 46, 53, 53], dtype=np.int64)
_PADDING_IDX = 61
_NUM_BAGS = 10
_DIM = 5
_LANES = 16
_N_IDX = 53
_N_ROWS = 100
_NSLOTS = _NUM_BAGS * _DIM
_NCHUNKS = 4
_MAXLEN = int((_OFFSETS[1:] - _OFFSETS[:-1]).max())

_mesh = plsc.VectorSubcoreMesh(
    core_axis_name="c", subcore_axis_name="s", num_cores=1
)


@functools.partial(
    pl.kernel,
    out_type=jax.ShapeDtypeStruct((_NUM_BAGS, _DIM), jnp.float32),
    mesh=_mesh,
    scratch_types=[
        pltpu.VMEM((_N_IDX,), jnp.int32),
        pltpu.VMEM((_N_ROWS, _DIM), jnp.float32),
        pltpu.VMEM((_LANES,), jnp.int32),
        pltpu.VMEM((_NUM_BAGS, _DIM), jnp.float32),
        pltpu.SemaphoreType.DMA,
        pltpu.SemaphoreType.DMA,
        pltpu.SemaphoreType.DMA,
    ],
    compiler_params=pltpu.CompilerParams(
        needs_layout_passes=False,
        disable_bounds_checks=True,
        disable_semaphore_checks=True,
        use_tc_tiling_on_sc=True,
    ),
)
def _bag_mean_sc(inp_hbm, w_hbm, offs_hbm, out_hbm, inp_v, w_v, offs_v, out_v,
                 sem1, sem2, sem3):
    @pl.when(lax.axis_index("s") == 0)
    def _():
        cp1 = pltpu.async_copy(inp_hbm, inp_v, sem1)
        cp2 = pltpu.async_copy(w_hbm, w_v, sem2)
        cp3 = pltpu.async_copy(offs_hbm, offs_v, sem3)
        cp1.wait()
        cp2.wait()
        cp3.wait()
        lane = lax.broadcasted_iota(jnp.int32, (_LANES,), 0)

        def chunk_body(r, _):
            slot = lane + r * _LANES
            bag = jnp.minimum((slot * 13) >> 6, _NUM_BAGS)
            dvec = jnp.minimum(slot - bag * _DIM, _DIM - 1)
            off_vec = plsc.load_gather(offs_v, [bag])
            nxt_vec = plsc.load_gather(offs_v, [jnp.minimum(bag + 1, _NUM_BAGS)])
            len_vec = nxt_vec - off_vec

            def j_body(j, carry):
                acc, cnt = carry
                posv = jnp.minimum(off_vec + j, _N_IDX - 1)
                idx = plsc.load_gather(inp_v, [posv])
                mf = jnp.where(
                    jnp.logical_and(len_vec > j, idx != _PADDING_IDX), 1.0, 0.0
                ).astype(jnp.float32)
                idxc = jnp.minimum(jnp.maximum(idx, 0), _N_ROWS - 1)
                vals = plsc.load_gather(w_v, [idxc, dvec])
                return acc + vals * mf, cnt + mf

            acc, cnt = lax.fori_loop(
                0,
                _MAXLEN,
                j_body,
                (
                    jnp.zeros((_LANES,), jnp.float32),
                    jnp.zeros((_LANES,), jnp.float32),
                ),
            )
            plsc.store_scatter(
                out_v,
                [jnp.minimum(bag, _NUM_BAGS - 1), dvec],
                acc / jnp.maximum(cnt, 1.0),
                mask=slot < _NSLOTS,
            )
            return ()

        lax.fori_loop(0, _NCHUNKS, chunk_body, ())
        pltpu.sync_copy(out_v, out_hbm)


_OFFS_PADDED = np.concatenate(
    [_OFFSETS.astype(np.int32), np.zeros((_LANES - len(_OFFSETS),), np.int32)]
)


def kernel(input, weight):
    return _bag_mean_sc(input, weight, jnp.asarray(_OFFS_PADDED))

# --- scband reference (transcript-rebuilt; emitter-appended) ---
"""Pipeline reference for scband-my-model-61933428409271 (READ-ONLY COPY).

The authoritative reference and input builder live on the scoring server;
editing this copy changes nothing except your own understanding.
"""

import jax, jax.numpy as jnp
import numpy as np

OFFSETS = np.array([0, 6, 12, 15, 25, 32, 40, 42, 46, 53, 53], dtype=np.int64)
PADDING_IDX = 61
NUM_BAGS = len(OFFSETS) - 1


def _embedding_bag_mean(inp, weight):
    # Faithful translation of F.embedding_bag(mode='mean',
    # include_last_offset=True, padding_idx=61).
    # norm_type=2.0 has no effect since max_norm is None.
    outs = []
    for b in range(NUM_BAGS):
        s, e = int(OFFSETS[b]), int(OFFSETS[b + 1])
        idx = inp[s:e]
        if e == s:
            outs.append(jnp.zeros((weight.shape[1],), dtype=weight.dtype))
            continue
        mask = (idx != PADDING_IDX).astype(weight.dtype)
        emb = jnp.take(weight, idx, axis=0) * mask[:, None]
        total = jnp.sum(emb, axis=0)
        cnt = jnp.sum(mask)
        denom = jnp.maximum(cnt, 1.0)
        outs.append(total / denom)
    return jnp.stack(outs, axis=0)


def setup_inputs(seed: int = 0) -> dict:
    key = jax.random.key(seed)
    k1, k2 = jax.random.split(key)
    inp = jax.random.randint(k1, (53,), 0, 100, dtype=jnp.int32)
    # torch.rand -> uniform [0, 1)
    weight = jax.random.uniform(k2, (100, 5), dtype=jnp.float32)
    return {"input": inp, "weight": weight}


def reference(input, weight):
    return _embedding_bag_mean(input, weight)

if __name__ == "__main__":
    import jax
    _d = setup_inputs()
    print(jax.jit(kernel)(*tuple(_d.values())))

</pallas_src>

<mosaic_0001>
#map = affine_map<(d0, d1) -> (0)>
#map1 = affine_map<(d0, d1) -> (0, 0)>
module attributes {stable_mosaic.version = 14 : i64} {
  func.func @_bag_mean_sc(%arg0: i32, %arg1: i32, %arg2: memref<53xi32, #tpu.memory_space<hbm>>, %arg3: memref<100x5xf32, #tpu.memory_space<hbm>>, %arg4: memref<16xi32, #tpu.memory_space<hbm>>, %arg5: memref<10x5xf32, #tpu.memory_space<hbm>>, %arg6: memref<53xi32, #tpu.memory_space<vmem>>, %arg7: memref<100x5xf32, #tpu.memory_space<vmem>>, %arg8: memref<16xi32, #tpu.memory_space<vmem>>, %arg9: memref<10x5xf32, #tpu.memory_space<vmem>>, %arg10: memref<!tpu.dma_semaphore, #tpu.memory_space<semaphore_mem>>, %arg11: memref<!tpu.dma_semaphore, #tpu.memory_space<semaphore_mem>>, %arg12: memref<!tpu.dma_semaphore, #tpu.memory_space<semaphore_mem>>) attributes {dimension_semantics = [#tpu.dimension_semantics<core_parallel>, #tpu.dimension_semantics<subcore_parallel>], iteration_bounds = array<i64: 1, 16>, scalar_prefetch = 0 : i64, scratch_operands = 7 : i64, tpu.core_type = #tpu.core_type<sc_vector_subcore>, window_params = [{transform_indices = #map}, {transform_indices = #map1}, {transform_indices = #map}, {transform_indices = #map1}]} {
    %eq3A = arith.constant 0 : i32
    %eq3A_0 = arith.cmpi eq, %arg1, %eq3A : i32
    %convert_element_type3A = arith.extui %eq3A_0 : i1 to i32
    %cond3A = arith.constant 0 : i32
    %cond3A_1 = arith.cmpi ne, %convert_element_type3A, %cond3A : i32
    scf.if %cond3A_1 {
      tpu.enqueue_dma source(%arg2 : memref<53xi32, #tpu.memory_space<hbm>>) target(%arg6 : memref<53xi32, #tpu.memory_space<vmem>>) target_semaphore(%arg10 : memref<!tpu.dma_semaphore, #tpu.memory_space<semaphore_mem>>)
      tpu.enqueue_dma source(%arg3 : memref<100x5xf32, #tpu.memory_space<hbm>>) target(%arg7 : memref<100x5xf32, #tpu.memory_space<vmem>>) target_semaphore(%arg11 : memref<!tpu.dma_semaphore, #tpu.memory_space<semaphore_mem>>)
      tpu.enqueue_dma source(%arg4 : memref<16xi32, #tpu.memory_space<hbm>>) target(%arg8 : memref<16xi32, #tpu.memory_space<vmem>>) target_semaphore(%arg12 : memref<!tpu.dma_semaphore, #tpu.memory_space<semaphore_mem>>)
      tpu.wait_dma2 semaphore(%arg10 : memref<!tpu.dma_semaphore, #tpu.memory_space<semaphore_mem>>) src(%arg2 : memref<53xi32, #tpu.memory_space<hbm>>) dst(%arg6 : memref<53xi32, #tpu.memory_space<vmem>>)
      tpu.wait_dma2 semaphore(%arg11 : memref<!tpu.dma_semaphore, #tpu.memory_space<semaphore_mem>>) src(%arg3 : memref<100x5xf32, #tpu.memory_space<hbm>>) dst(%arg7 : memref<100x5xf32, #tpu.memory_space<vmem>>)
      tpu.wait_dma2 semaphore(%arg12 : memref<!tpu.dma_semaphore, #tpu.memory_space<semaphore_mem>>) src(%arg4 : memref<16xi32, #tpu.memory_space<hbm>>) dst(%arg8 : memref<16xi32, #tpu.memory_space<vmem>>)
      %iota3A = tpu.iota {dimensions = array<i32: 0>} : vector<16xi32>
      %scan3A = arith.constant 0 : i32
      %scan3A_2 = arith.constant 4 : i32
      %scan3A_3 = arith.addi %scan3A, %scan3A_2 : i32
      %scan3A_4 = arith.constant 1 : i32
      scf.for %scan3A_6 = %scan3A to %scan3A_3 step %scan3A_4  : i32 {
        %mul3A = arith.constant 16 : i32
        %mul3A_7 = arith.muli %scan3A_6, %mul3A : i32
        %add3A = vector.broadcast %mul3A_7 : i32 to vector<16xi32>
        %add3A_8 = arith.addi %iota3A, %add3A : vector<16xi32>
        %mul3A_9 = arith.constant 13 : i32
        %mul3A_10 = vector.broadcast %mul3A_9 : i32 to vector<16xi32>
        %mul3A_11 = arith.muli %add3A_8, %mul3A_10 : vector<16xi32>
        %shift_right_arithmetic3A = arith.constant 6 : i32
        %shift_right_arithmetic3A_12 = vector.broadcast %shift_right_arithmetic3A : i32 to vector<16xi32>
        %shift_right_arithmetic3A_13 = arith.shrsi %mul3A_11, %shift_right_arithmetic3A_12 : vector<16xi32>
        %min3A = arith.constant 10 : i32
        %min3A_14 = vector.broadcast %min3A : i32 to vector<16xi32>
        %min3A_15 = arith.minsi %shift_right_arithmetic3A_13, %min3A_14 : vector<16xi32>
        %mul3A_16 = arith.constant 5 : i32
        %mul3A_17 = vector.broadcast %mul3A_16 : i32 to vector<16xi32>
        %mul3A_18 = arith.muli %min3A_15, %mul3A_17 : vector<16xi32>
        %sub3A = arith.subi %add3A_8, %mul3A_18 : vector<16xi32>
        %min3A_19 = arith.constant 4 : i32
        %min3A_20 = vector.broadcast %min3A_19 : i32 to vector<16xi32>
        %min3A_21 = arith.minsi %sub3A, %min3A_20 : vector<16xi32>
        %gather3A = tpu.vector_load_idx %arg8[%min3A_15] : memref<16xi32, #tpu.memory_space<vmem>>[vector<16xi32>], vector<16xi32>,
        %add3A_22 = arith.constant 1 : i32
        %add3A_23 = vector.broadcast %add3A_22 : i32 to vector<16xi32>
        %add3A_24 = arith.addi %min3A_15, %add3A_23 : vector<16xi32>
        %min3A_25 = arith.constant 10 : i32
        %min3A_26 = vector.broadcast %min3A_25 : i32 to vector<16xi32>
        %min3A_27 = arith.minsi %add3A_24, %min3A_26 : vector<16xi32>
        %gather3A_28 = tpu.vector_load_idx %arg8[%min3A_27] : memref<16xi32, #tpu.memory_space<vmem>>[vector<16xi32>], vector<16xi32>,
        %sub3A_29 = arith.subi %gather3A_28, %gather3A : vector<16xi32>
        %broadcast_in_dim3A = arith.constant 0.000000e+00 : f32
        %broadcast_in_dim3A_30 = vector.broadcast %broadcast_in_dim3A : f32 to vector<16xf32>
        %broadcast_in_dim3A_31 = arith.constant 0.000000e+00 : f32
        %broadcast_in_dim3A_32 = vector.broadcast %broadcast_in_dim3A_31 : f32 to vector<16xf32>
        %scan3A_33 = arith.constant 0 : i32
        %scan3A_34 = arith.constant 10 : i32
        %scan3A_35 = arith.addi %scan3A_33, %scan3A_34 : i32
        %scan3A_36 = arith.constant 1 : i32
        %scan3A_37:2 = scf.for %scan3A_46 = %scan3A_33 to %scan3A_35 step %scan3A_36 iter_args(%scan3A_47 = %broadcast_in_dim3A_30, %scan3A_48 = %broadcast_in_dim3A_32) -> (vector<16xf32>, vector<16xf32>)  : i32 {
          %add3A_49 = vector.broadcast %scan3A_46 : i32 to vector<16xi32>
          %add3A_50 = arith.addi %gather3A, %add3A_49 : vector<16xi32>
          %min3A_51 = arith.constant 52 : i32
          %min3A_52 = vector.broadcast %min3A_51 : i32 to vector<16xi32>
          %min3A_53 = arith.minsi %add3A_50, %min3A_52 : vector<16xi32>
          %gather3A_54 = tpu.vector_load_idx %arg6[%min3A_53] : memref<53xi32, #tpu.memory_space<vmem>>[vector<16xi32>], vector<16xi32>,
          %gt3A = vector.broadcast %scan3A_46 : i32 to vector<16xi32>
          %gt3A_55 = arith.cmpi sgt, %sub3A_29, %gt3A : vector<16xi32>
          %ne3A = arith.constant 61 : i32
          %ne3A_56 = vector.broadcast %ne3A : i32 to vector<16xi32>
          %ne3A_57 = arith.cmpi ne, %gather3A_54, %ne3A_56 : vector<16xi32>
          %and3A = arith.andi %gt3A_55, %ne3A_57 : vector<16xi1>
          %jit3A = arith.constant 1.000000e+00 : f32
          %jit3A_58 = arith.constant 0.000000e+00 : f32
          %broadcast_in_dim3A_59 = vector.broadcast %jit3A : f32 to vector<16xf32>
          %broadcast_in_dim3A_60 = vector.broadcast %jit3A_58 : f32 to vector<16xf32>
          %select_n3A = arith.select %and3A, %broadcast_in_dim3A_59, %broadcast_in_dim3A_60 : vector<16xi1>, vector<16xf32>
          %max3A_61 = arith.constant 0 : i32
          %max3A_62 = vector.broadcast %max3A_61 : i32 to vector<16xi32>
          %max3A_63 = arith.maxsi %gather3A_54, %max3A_62 : vector<16xi32>
          %min3A_64 = arith.constant 99 : i32
          %min3A_65 = vector.broadcast %min3A_64 : i32 to vector<16xi32>
          %min3A_66 = arith.minsi %max3A_63, %min3A_65 : vector<16xi32>
          %gather3A_67 = tpu.vector_load_idx %arg7[%min3A_66, %min3A_21] : memref<100x5xf32, #tpu.memory_space<vmem>>[vector<16xi32>, vector<16xi32>], vector<16xf32>,
          %mul3A_68 = arith.mulf %gather3A_67, %select_n3A : vector<16xf32>
          %add3A_69 = arith.addf %scan3A_47, %mul3A_68 : vector<16xf32>
          %add3A_70 = arith.addf %scan3A_48, %select_n3A : vector<16xf32>
          scf.yield %add3A_69, %add3A_70 : vector<16xf32>, vector<16xf32>
        }
        %scan3A_38 = arith.constant 10 : i32
        %min3A_39 = arith.constant 9 : i32
        %min3A_40 = vector.broadcast %min3A_39 : i32 to vector<16xi32>
        %min3A_41 = arith.minsi %min3A_15, %min3A_40 : vector<16xi32>
        %max3A = arith.constant 1.000000e+00 : f32
        %max3A_42 = vector.broadcast %max3A : f32 to vector<16xf32>
        %max3A_43 = arith.maximumf %scan3A_37#1, %max3A_42 : vector<16xf32>
        %div3A = arith.divf %scan3A_37#0, %max3A_43 : vector<16xf32>
        %lt3A = arith.constant 50 : i32
        %lt3A_44 = vector.broadcast %lt3A : i32 to vector<16xi32>
        %lt3A_45 = arith.cmpi slt, %add3A_8, %lt3A_44 : vector<16xi32>
        tpu.vector_store_idx %arg9[%min3A_41, %min3A_21], %div3A masked %lt3A_45 : memref<10x5xf32, #tpu.memory_space<vmem>>[vector<16xi32>, vector<16xi32>], vector<16xf32>, vector<16xi1>
      }
      %scan3A_5 = arith.constant 4 : i32
      "tpu.region"() ({
        %run_scoped3A = tpu.sem_alloc : memref<!tpu.dma_semaphore, #tpu.memory_space<semaphore_mem>>
        tpu.enqueue_dma source(%arg9 : memref<10x5xf32, #tpu.memory_space<vmem>>) target(%arg5 : memref<10x5xf32, #tpu.memory_space<hbm>>) target_semaphore(%run_scoped3A : memref<!tpu.dma_semaphore, #tpu.memory_space<semaphore_mem>>)
        tpu.wait_dma2 semaphore(%run_scoped3A : memref<!tpu.dma_semaphore, #tpu.memory_space<semaphore_mem>>) src(%arg9 : memref<10x5xf32, #tpu.memory_space<vmem>>) dst(%arg5 : memref<10x5xf32, #tpu.memory_space<hbm>>)
        tpu.yield
      }) : () -> ()
    } else {
    }
    return
  }
}

</mosaic_0001>

<sc_bundles>
// kernel: kernel.3.cloned.1.call-start
scs
__scs_entry_jumppad:
0x0: {  	(pc) =	sbr.rel $0x88, $3  }
0x1: {  	(tag) =	ssettag $0x0;
	lr =	simm.s32 $0x1  }
0x2: {  	[smem:$0x3F9F] =	sst lr;
	_ =	strace $0xD0000000  }
0x3: {  	_ = 	snop  }
0x4: {  	_ = 	snop  }
0x5: {  	_ = 	snop  }
0x6: {  	_ = 	snop  }
0x7: {  	_ = 	snop  }
__scs_overlays_trampoline_lowered:
0x8: {  	[smem:$0x3FAE] =	sst s0  }
0x9: {  	[smem:$0x3FAF] =	sst s1  }
0xa: {  	[smem:$0x3FB0] =	sst s2  }
0xb: {  	[smem:$0x3FB1] =	sst s3  }
0xc: {  	[smem:$0x3FB2] =	sst s4  }
0xd: {  	[smem:$0x3FB3] =	sst s5  }
0xe: {  	[smem:$0x3FB4] =	sst s6  }
0xf: {  	[smem:$0x3FB5] =	sst s7  }
0x10: {  	[smem:$0x3FB6] =	sst s8  }
0x11: {  	[smem:$0x3FB7] =	sst s9;
	s0 =	simm.s32 @!p0 $0x0  }
0x12: {  	s1 =	sld [smem:$0x3F9D];
	s0 =	simm.s32 @p0 $0x1  }
0x13: {  	[smem:$0x3FB8] =	sst s0;
	s0 =	simm.s32 @!p1 $0x0  }
0x14: {  	s2 =	sld [smem:$0x3F9C];
	s0 =	simm.s32 @p1 $0x1  }
0x15: {  	[smem:$0x3FB9] =	sst s0;
	s0 =	simm.s32 @!p2 $0x0  }
0x16: {  	s3 =	sld [smem:$0x3FDB];
	s0 =	simm.s32 @p2 $0x1  }
0x17: {  	s4 =	simm.s32 $0x1BF5;
	[smem:$0x3FBB] =	sst s0  }
0x18: {  	s0 =	sld [smem:$0x3F9E];
	_ =	swait.ge [sflag:s4], $0x0  }
0x19: {  	s7 =	sld [smem:$0x3F9F]  }
0x1a: {  	s8 =	sadd.s32 $0xFFFFE003, lr  }
0x1b: {  	s9 =	sadd.s32 $0xFFFFFEF7, lr;
	s5 =	simm.s32 $0xFFFFFFFF;
	p2 =	slt.u32 s8, $0xFFFFF086  }
0x1c: {  	p1 =	slt.u32 s9, $0xF7A;
	s5 =	simm.s32 @!p2 $0x0  }
0x1d: {  	s5 =	simm.s32 @p1 $0x1;
	p0 =	seq.s32 s7, s2  }
0x1e: {  	s7 =	smul.u32 @!p0 $0xF7A, s2;
	p2 =	seq.s32 @!p0 s5, $0x0  }
0x1f: {  	s9 =	smul.u32 $0xF7A, s1;
	s8 =	simm.s32 @!p0 $0x1BF5;
	p2 =	por !p2, p0  }
0x20: {  	[sflag:s8] =	ssyncset.s32 @!p0 $0xFFFFF086;
	s6 =	sadd.s32 @!p0 s3, s7;
	s7 =	simm.s32 @!p0 $0x108  }
0x21: {  	s3 =	sadd.s32 s3, s9;
	s6 =	sadd.s32 @!p0 $0x88, s6;
	s7 =	simm.s32 @p2 $0x1082  }
0x22: {  	[simem:s7], [sflag:s8] =	dma.local @!p0 [hbm:s6], $0xF7A  }
0x23: {  	s9 =	sor.u32 $0xD0000000, s2;
	s6 =	simm.s32 $0x108;
	_ =	swait.ge @!p0 [sflag:s8], $0x0  }
0x24: {  	s3 =	sadd.s32 $0x88, s3;
	s6 =	simm.s32 @!p1 $0x1082;
	[sflag:s4] =	ssyncset.s32 $0xFFFFF086  }
0x25: {  	[simem:s6], [sflag:s4] =	dma.local [hbm:s3], $0xF7A  }
0x26: {  	[smem:$0x3F9F] =	sst s1;
	(tag) =	ssettag s2;
	_ =	strace s9  }
0x27: {  	s1 =	sld [smem:$0x3FAF]  }
0x28: {  	s2 =	sld [smem:$0x3FB0]  }
0x29: {  	s4 =	sld [smem:$0x3FB2]  }
0x2a: {  	p0 =	seq.s32 s5, $0x0;
	s5 =	sld [smem:$0x3FB3]  }
0x2b: {  	s6 =	sld [smem:$0x3FB4]  }
0x2c: {  	s7 =	sld [smem:$0x3FB5]  }
0x2d: {  	s3 =	simm.s32 $0x108;
	s8 =	sld [smem:$0x3FB6]  }
0x2e: {  	s3 =	simm.s32 @!p0 $0x1082;
	s9 =	sld [smem:$0x3FB7]  }
0x2f: {  	lr =	sadd.s32 s0, s3;
	s0 =	sld [smem:$0x3FAE]  }
0x30: {  	s3 =	sld [smem:$0x3FB1]  }
0x31: {  	[smem:$0x3FBA] =	sst s10  }
0x32: {  	s10 =	sld [smem:$0x3FB8];
	_ =	sdelay $0x3  }
0x33: {  	p0 =	seq.s32 s10, $0x1;
	s10 =	sld [smem:$0x3FBA];
	_ =	sdelay $0x3  }
0x34: {  	[smem:$0x3FBA] =	sst s10  }
0x35: {  	s10 =	sld [smem:$0x3FB9];
	_ =	sdelay $0x3  }
0x36: {  	p1 =	seq.s32 s10, $0x1;
	s10 =	sld [smem:$0x3FBA];
	_ =	sdelay $0x3  }
0x37: {  	[smem:$0x3FBA] =	sst s10  }
0x38: {  	s10 =	sld [smem:$0x3FBB]  }
0x39: {  	_ = 	snop;
	(pc) =	sbr.ind lr, $3  }
0x3a: {  	_ = 	snop  }
0x3b: {  	_ = 	snop  }
0x3c: {  	p2 =	seq.s32 s10, $0x1;
	s10 =	sld [smem:$0x3FBA]  }
0x3d: {  	_ =	shalt  }
0x3e: {  	_ =	shalt  }
0x3f: {  	_ =	shalt  }
0x40: {  	_ =	shalt  }
0x41: {  	_ =	shalt  }
0x42: {  	_ =	shalt  }
0x43: {  	_ =	shalt  }
0x44: {  	_ =	shalt  }
0x45: {  	_ =	shalt  }
0x46: {  	_ =	shalt  }
0x47: {  	_ =	shalt  }
0x48: {  	_ =	shalt  }
0x49: {  	_ =	shalt  }
0x4a: {  	_ =	shalt  }
0x4b: {  	_ =	shalt  }
0x4c: {  	_ =	shalt  }
0x4d: {  	_ =	shalt  }
0x4e: {  	_ =	shalt  }
0x4f: {  	_ =	shalt  }
0x50: {  	_ =	shalt  }
0x51: {  	_ =	shalt  }
0x52: {  	_ =	shalt  }
0x53: {  	_ =	shalt  }
0x54: {  	_ =	shalt  }
0x55: {  	_ =	shalt  }
0x56: {  	_ =	shalt  }
0x57: {  	_ =	shalt  }
0x58: {  	_ =	shalt  }
0x59: {  	_ =	shalt  }
0x5a: {  	_ =	shalt  }
0x5b: {  	_ =	shalt  }
0x5c: {  	_ =	shalt  }
0x5d: {  	_ =	shalt  }
0x5e: {  	_ =	shalt  }
0x5f: {  	_ =	shalt  }
0x60: {  	_ =	shalt  }
0x61: {  	_ =	shalt  }
0x62: {  	_ =	shalt  }
0x63: {  	_ =	shalt  }
0x64: {  	_ =	shalt  }
0x65: {  	_ =	shalt  }
0x66: {  	_ =	shalt  }
0x67: {  	_ =	shalt  }
0x68: {  	_ =	shalt  }
0x69: {  	_ =	shalt  }
0x6a: {  	_ =	shalt  }
0x6b: {  	_ =	shalt  }
0x6c: {  	_ =	shalt  }
0x6d: {  	_ =	shalt  }
0x6e: {  	_ =	shalt  }
0x6f: {  	_ =	shalt  }
0x70: {  	_ =	shalt  }
0x71: {  	_ =	shalt  }
0x72: {  	_ =	shalt  }
0x73: {  	_ =	shalt  }
0x74: {  	_ =	shalt  }
0x75: {  	_ =	shalt  }
0x76: {  	_ =	shalt  }
0x77: {  	_ =	shalt  }
0x78: {  	_ =	shalt  }
0x79: {  	_ =	shalt  }
0x7a: {  	_ =	shalt  }
0x7b: {  	_ =	shalt  }
0x7c: {  	_ =	shalt  }
0x7d: {  	_ =	shalt  }
0x7e: {  	_ =	shalt  }
0x7f: {  	_ =	shalt  }
0x80: {  	_ =	shalt  }
0x81: {  	_ =	shalt  }
0x82: {  	_ =	shalt  }
0x83: {  	_ =	shalt  }
0x84: {  	_ =	shalt  }
0x85: {  	_ =	shalt  }
0x86: {  	_ =	shalt  }
0x87: {  	_ =	shalt  }
.Lfunc_end0:
.L_simem_size_0:
called_computation_lowered:
.L_overlay_start_0:
0x88: {  	s0 =	sld [smem:$0x3FD9]  }
0x89: {  	s1 =	sld [smem:$0x3FFE];
	_ =	sdelay $0x3  }
0x8a: {  	s0 =	sadd.s32 s1, s0  }
0x8b: {  	[smem:$0x3FC6] =	sst s0  }
0x8c: {  	_ = 	snop  }
0x8d: {  	s0 =	sld [smem:$0x3FC9]  }
0x8e: {  	s16 =	sld [smem:$0x3FD0];
	(tm) =	ssettm $0x1  }
0x8f: {  	s2 =	sld [smem:$0x3FFB];
	_ =	sdelay $0x3  }
0x90: {  	_ =	strace s2  }
0x91: {  	s2 =	sld [smem:$0x3FFC];
	_ =	sdelay $0x3  }
0x92: {  	_ =	strace s2  }
0x93: {  	s2 =	sld [smem:$0x3FFD];
	_ =	sdelay $0x3  }
0x94: {  	_ =	strace s2  }
0x95: {  	_ =	strace $0x8FFFFFFF  }
0x96: {  	s17 =	sld [smem:$0x3FDB];
	_ =	sdelay $0x1  }
0x97: {  	s3 =	simm.s32 $_scs_section_size  }
0x98: {  	s4 =	simm.s32 $_size__tile_overlayer_lowered;
	s5 =	simm.s32 $_tile_overlayer_lowered  }
0x99: {  	s20 =	simm.s32 $0x1BFF;
	s19 =	sshll.u32 s5, $0x1;
	s2 =	sadd.s32 s3, s17  }
0x9a: {  	s6 =	simm.s32 $0x0;
	s18 =	sshll.u32 s4, $0x1;
	s4 =	sadd.s32 s19, s2  }
0x9b: {  	[timem:s6], [sflag:s20] =	dma.local [hbm:s4], s18  }
0x9c: {  	_ =	swait.ge [sflag:s20], s18  }
0x9d: {  	s3 =	ssub.s32 $0x0, s18;
	[sflag:s20] =	ssyncset.done $0x0  }
0x9e: {  	[sflag:s20] =	ssyncadd.s32 s3;
	_ =	sdelay $0x1  }
0x9f: {  	s21 =	simm.s32 $0x1B8B  }
0xa0: {  	_ =	swait.ge [sflag:s21], $0x1  }
0xa1: {  	[sflag:s21] =	ssyncset.done $0x0  }
0xa2: {  	s23 =	simm.s32 $0x1B8E;
	s22 =	sld [smem:$0x3FFE];
	[sflag:s21] =	ssyncadd.s32 $0xFFFFFFFF  }
0xa3: {  	s24 =	simm.s32 $execute0_lowered;
	[smem:$0x3FD2] =	sst s23  }
0xa4: {  	s4 =	sshll.u32 s24, $0x1;
	_ =	strace $0x80000046;
	[dreg:$0x1] =	wrdreg $0xFFFFFFFF  }
0xa5: {  	s25 =	simm.s32 $_size_execute0_lowered;
	s2 =	sadd.s32 s2, s4;
	[dreg:$0x0] =	wrdreg $0x0  }
0xa6: {  	s4 =	sshll.u32 s25, $0x1;
	[dreg:$0x2] =	wrdreg s2  }
0xa7: {  	[dreg:$0x3] =	wrdreg s4  }
0xa8: {  	[dreg:$0x4] =	wrdreg $0xC0  }
0xa9: {  	_ =	task [dreg:s6], $0x5FFFF  }
0xaa: {  	[dreg:$0x1] =	wrdreg $0xFFFFFFFF  }
0xab: {  	[dreg:$0x0] =	wrdreg $0x60  }
0xac: {  	[dreg:$0x2] =	wrdreg s0  }
0xad: {  	[dreg:$0x3] =	wrdreg s22  }
0xae: {  	[dreg:$0x4] =	wrdreg s16  }
0xaf: {  	[dreg:$0x5] =	wrdreg $0x9  }
0xb0: {  	_ =	task.clear_ibuf [dreg:s6], $0x6FFFF;
	_ =	strace $0x90000046  }
0xb1: {  	s26 =	simm.s32 $0x9;
	_ =	strace $0x80000048  }
0xb2: {  	_ =	swait.ge [sflag:s26], $0x1  }
0xb3: {  	[sflag:s26] =	ssyncadd.s32 $0xFFFFFFFF  }
0xb4: {  	_ =	strace $0x90000048  }
0xb5: {  	_ =	sfence  }
0xb6: {  	s28 =	sld [smem:$0x0];
	_ =	sdelay $0x1  }
0xb7: {  	s29 =	srdreg.scid  }
0xb8: {  	s30 =	sshll.u32 s29, $0xD;
	s31 =	sshrl.u32 s29, $0x2  }
0xb9: {  	s1 =	sand.u32 $0x1, s29;
	s2 =	sand.u32 $0x4000, s30;
	s0 =	sadd.s32 s31, s28  }
0xba: {  	s1 =	sor.u32 s2, s1;
	s0 =	sshll.u32 s0, $0x11  }
0xbb: {  	s0 =	sor.u32 s0, s1  }
0xbc: {  	s0 =	sadd.s32 $0x8F2B, s0  }
0xbd: {  	[sflag:s0] =	ssyncadd.remote.s32 $0x1  }
0xbe: {  	_ =	sfence.sel $0xFFFF  }
0xbf: {  	[dreg:$0x0] =	wrdreg $0xFFFFFFFF;
	(pc) =	sbr.abs _section_cstart, $3  }
0xc0: {  	[dreg:$0x1] =	wrdreg $0xFFFFFFFF  }
0xc1: {  	_ =	task.clear_ibuf [dreg:s6], $0x2FFFF;
	_ =	strace $0x9FFFFFFF  }
0xc2: {  	(tm) =	ssettm $0x7FFFFFFF  }
0xc3: {  	_ =	shalt  }
tec
execute0_lowered:
.L_overlay_start_1:
0x0: {  	(tag) =	ssettag $0x1  }
0x1: {  	s2 =	rddreg [dreg:$0x0]  }
0x2: {  	s4 =	rddreg [dreg:$0x1]  }
0x3: {  	s5 =	rddreg [dreg:$0x2];
	s1 =	stileid.u32  }
0x4: {  	s0 =	rddreg [dreg:$0x3];
	_ =	strace $0x80000047;
	p0 =	sne.s32 s1, $0x0  }
0x5: {  	_ =	sfence.sel @p0 $0x180000  }
0x6: {  	[bflag:$0x0] =	sbarrier.arrive @p0 $0xFFFF  }
0x7: {  	_ =	strace @p0 $0x90000047  }
0x8: {  	[bflag:$0x2] =	sbarrier.arrive @p0 $0xFFFF  }
0x9: {  	_ =	shalt @p0  }
.LBB2_1:
0xa: {  	s1 =	simm.s32 $0x0  }
0xb: {  	[tilespmem:s1], [sflag:$0x1] =	stream.linear.gather [hbm4b:s2+s1], $0x80, $0x38;
	[tilespmem:$0x3D00] =	vst v63  }
0xc: {  	s3 =	sadd.s32 $0x600, s4;
	s2 =	simm.s32 $0x80  }
0xd: {  	[tilespmem:s2], [sflag:$0x2] =	stream.linear.gather [hbm4b:s3+s1], $0x3200, $0x38;
	[tilespmem:$0x3D00] =	vst v63  }
0xe: {  	s29 =	simm.s32 $0x1;
	s3 =	simm.s32 $0x3480  }
0xf: {  	[tilespmem:s3], [sflag:$0x3] =	stream.linear.gather [hbm4b:s5+s1], $0x80, $0x38;
	[tilespmem:$0x3D00] =	vst v63  }
0x10: {  	_ =	swait.ge [sflag:s29], $0x80  }
0x11: {  	[sflag:s29] =	ssyncset.done $0x0  }
0x12: {  	s30 =	simm.s32 $0x2;
	[sflag:s29] =	ssyncadd.s32 $0xFFFFFF80  }
0x13: {  	_ =	swait.ge [sflag:s30], $0x3200  }
0x14: {  	[sflag:s30] =	ssyncset.done $0x0  }
0x15: {  	s31 =	simm.s32 $0x3;
	[sflag:s30] =	ssyncadd.s32 $0xFFFFCE00  }
0x16: {  	_ =	swait.ge [sflag:s31], $0x80  }
0x17: {  	s4 =	sadd.s32 $0xE00, s4;
	[sflag:s31] =	ssyncset.done $0x0  }
0x18: {  	v0 =	vlaneseq.u32;
	v1 =	vimm.f32 $0.0e+00;
	s6 =	simm.s32 $0x0;
	s5 =	simm.s32 $0x3500;
	[sflag:s31] =	ssyncadd.s32 $0xFFFFFF80  }
.LBB2_2:
0x19: {  	s7 =	sshll.u32 s6, $0x4  }
0x1a: {  	v2 =	vor.u32 s7, v0  }
0x1b: {  	v3 =	vmul.u32 $0xD, v2;
	_ =	sdelay $0x1  }
0x1c: {  	v3 =	vshrl.u32 v3, $0x6  }
0x1d: {  	v4 =	vmin.u32 v3, $0xA;
	_ =	sdelay $0x4  }
0x1e: {  	v5 =	vld.idx.msk [tilespmem:v4+s3+$0x0], $0xffff;
	_ =	sdelay $0x4  }
0x1f: {  	v6 =	vadd.s32 s1, v5  }
0x20: {  	vm0 =	vlt.s32 v6, $0x34  }
0x21: {  	v6 =	vnsel vm0, $0x34, v6;
	_ =	sdelay $0x1  }
0x22: {  	s8 =	simm.s32 $0x1  }
0x23: {  	v7 =	vadd.s32 s8, v5  }
0x24: {  	vm8 =	vlt.s32 v7, $0x34  }
0x25: {  	v9 =	vld.idx.msk [tilespmem:v6+s1+$0x0], $0xffff;
	v6 =	vnsel vm8, $0x34, v7;
	_ =	sdelay $0x1  }
0x26: {  	s7 =	simm.s32 $0x2  }
0x27: {  	v3 =	vmin.u32 v3, $0x9;
	v8 =	vadd.s32 s7, v5  }
0x28: {  	v10 =	vadd.s32 $0x1, v3;
	v4 =	vmul.u32 $0xFFFFFFFB, v4;
	vm9 =	vlt.s32 v8, $0x34  }
0x29: {  	vm1 =	vgt.s32 v9, $0x0;
	v7 =	vld.idx.msk [tilespmem:v6+s1+$0x0], $0xffff;
	v6 =	vnsel vm9, $0x34, v8  }
0x2a: {  	v4 =	vadd.s32 v2, v4;
	v8 =	vnsel vm1, $0x0, v9  }
0x2b: {  	vm10 =	vlt.s32 v4, $0x4;
	v8 =	vmin.u32 v8, $0x63  }
0x2c: {  	v4 =	vnsel vm10, $0x4, v4;
	v8 =	vshll.u32 v8, $0x7  }
0x2d: {  	s9 =	simm.s32 $0x3;
	v10 =	vld.idx.msk [tilespmem:v10+s3+$0x0], $0xffff;
	v11 =	vadd.s32 v4, v8  }
0x2e: {  	v8 =	vld.idx.msk [tilespmem:v6+s1+$0x0], $0xffff;
	vm11 =	vgt.s32 v7, $0x0;
	v6 =	vadd.s32 s9, v5  }
0x2f: {  	v12 =	vnsel vm11, $0x0, v7;
	vm12 =	vlt.s32 v6, $0x34  }
0x30: {  	v12 =	vmin.u32 v12, $0x63;
	v13 =	vnsel vm12, $0x34, v6  }
0x31: {  	v12 =	vshll.u32 v12, $0x7  }
0x32: {  	s10 =	simm.s32 $0x4;
	vm2 =	vne.s32 v9, $0x3D;
	v6 =	vsub.s32 v10, v5;
	v11 =	vld.idx.msk [tilespmem:v11+s2+$0x0], $0xffff;
	v10 =	vadd.s32 v4, v12  }
0x33: {  	v9 =	vadd.s32 s10, v5;
	vm13 =	vgt.s32 v6, s1;
	vm14 =	vgt.s32 v8, $0x0  }
0x34: {  	vm15 =	vlt.s32 v9, $0x34;
	vm0 =	vmand vm13, vm2;
	v12 =	vnsel vm14, $0x0, v8  }
0x35: {  	v15 =	vnsel vm15, $0x34, v9;
	v16 =	vsel vm0, $0x3F800000, v1;
	v14 =	vmin.u32 v12, $0x63;
	v12 =	vld.idx.msk [tilespmem:v13+s1+$0x0], $0xffff  }
0x36: {  	v17 =	vshll.u32 v14, $0x7;
	v14 =	vadd.f32 v16, v1  }
0x37: {  	s11 =	simm.s32 $0x5;
	v13 =	vmul.f32 v16, v11;
	v9 =	vld.idx.msk [tilespmem:v10+s2+$0x0], $0xffff;
	v11 =	vadd.s32 v4, v17;
	v10 =	vimm.f32 $0.0e+00  }
.LBB2_3:
0x38: {  	p0 =	sne.s32 s11, $0x9;
	vm0 =	vgt.s32 v6, s8;
	s8 =	smov.u32 s7;
	s7 =	smov.u32 s9  }
0x39: {  	v16 =	vadd.s32 s11, v5;
	v10 =	vadd.f32 v13, v10;
	s9 =	smov.u32 s10;
	s10 =	smov.u32 s11;
	s11 =	sadd.s32 $0x1, s11  }
.Ltmp0:
0x3a: {  	vm2 =	vgt.s32 v12, $0x0;
	vm3 =	vne.s32 v7, $0x3D;
	v7 =	vmovc v8;
	v8 =	vmovc v12;
	vm1 =	vlt.s32 v16, $0x34;
	v12 =	vld.idx.msk [tilespmem:v15+s1+$0x0], $0xffff;
	(pc) =	sbr.rel @p0 .LBB2_3-.Ltmp0, $4  }
0x3b: {  	v13 =	vnsel vm2, $0x0, v8;
	vm0 =	vmand vm0, vm3;
	v15 =	vnsel vm1, $0x34, v16  }
0x3c: {  	v13 =	vmin.u32 v13, $0x63;
	v16 =	vsel vm0, $0x3F800000, v1  }
0x3d: {  	v17 =	vshll.u32 v13, $0x7;
	v13 =	vmul.f32 v16, v9;
	v14 =	vadd.f32 v16, v14;
	v9 =	vld.idx.msk [tilespmem:v11+s2+$0x0], $0xffff  }
0x3e: {  	v11 =	vadd.s32 v4, v17  }
0x3f: {  	_ =	sdelay $0x3  }
0x40: {  	v5 =	vld.idx.msk [tilespmem:v15+s1+$0x0], $0xffff;
	vm0 =	vgt.s32 v6, s8;
	vm1 =	vgt.s32 v12, $0x0;
	vm2 =	vne.s32 v7, $0x3D  }
0x41: {  	vm8 =	vgt.s32 v6, s7;
	vm9 =	vne.s32 v8, $0x3D;
	vm11 =	vne.s32 v12, $0x3D  }
0x42: {  	vm12 =	vgt.s32 v6, s9;
	vm13 =	vgt.s32 v6, s10;
	vm0 =	vmand vm0, vm2  }
0x43: {  	v53 =	vnsel vm1, $0x0, v12;
	vm10 =	vmand vm8, vm9;
	v54 =	vsel vm0, $0x3F800000, v1  }
0x44: {  	v7 =	vmin.u32 v53, $0x63;
	v56 =	vsel vm10, $0x3F800000, v1;
	v14 =	vadd.f32 v54, v14  }
0x45: {  	vm0 =	vmand vm12, vm11;
	v7 =	vshll.u32 v7, $0x7;
	vm7 =	vgt.s32 v5, $0x0  }
0x46: {  	v57 =	vsel vm0, $0x3F800000, v1;
	v14 =	vadd.f32 v56, v14;
	v55 =	vnsel vm7, $0x0, v5  }
0x47: {  	v7 =	vadd.s32 v4, v7;
	vm14 =	vne.s32 v5, $0x3D;
	v8 =	vmin.u32 v55, $0x63  }
0x48: {  	vm0 =	vmand vm13, vm14;
	v59 =	vadd.f32 v57, v14;
	v8 =	vshll.u32 v8, $0x7  }
0x49: {  	v60 =	vsel vm0, $0x3F800000, v1;
	v8 =	vadd.s32 v4, v8  }
0x4a: {  	v58 =	vld.idx.msk [tilespmem:v11+s2+$0x0], $0xffff;
	v11 =	vadd.f32 v60, v59;
	_ =	sdelay $0x1  }
0x4b: {  	v7 =	vld.idx.msk [tilespmem:v7+s2+$0x0], $0xffff;
	v11 =	vmax.f32 v11, $1.000000000e+00  }
0x4c: {  	v10 =	vadd.f32 v13, v10;
	v9 =	vmul.f32 v54, v9;
	(erf) = vrcp.f32 v11  }
0x4d: {  	v8 =	vld.idx.msk [tilespmem:v8+s2+$0x0], $0xffff  }
0x4e: {  	v9 =	vadd.f32 v9, v10;
	v5 =	vmul.f32 v56, v58;
	_ =	sdelay $0x1  }
0x4f: {  	v62 =	vand.u32 $0xFFFFFF80, v4;
	v5 =	vadd.f32 v5, v9;
	v6 =	vmul.f32 v57, v7  }
0x50: {  	v3 =	vshll.u32 v3, $0x7;
	vm15 =	vlt.u32 v2, $0x32;
	v2 =	vand.u32 $0x7F, v4  }
0x51: {  	v3 =	vadd.s32 v3, v62;
	v5 =	vadd.f32 v6, v5;
	v61 =	vmul.f32 v60, v8  }
0x52: {  	v2 =	vor.u32 v2, v3  }
0x53: {  	v3 =	vadd.f32 v61, v5  }
0x54: {  	v63 =	vpop (erf)  }
0x55: {  	s6 =	sadd.s32 $0x1, s6;
	v3 =	vmul.f32 v63, v3  }
0x56: {  	p0 =	sne.s32 s6, $0x4  }
0x57: {  	s1 =	simm.s32 @!p0 $0x0;
	s2 =	simm.s32 @!p0 $0x3500;
	[tilespmem:v2+s5+$0x0] =	vst.idx.msk vm15, v3  }
0x58: {  	[hbm4b:s4+s1] =	stream.linear.scatter @!p0 [tilespmem:s2], [sflag:$0x4], $0x500, $0x38;
	[tilespmem:$0x3D00] =	vst v63  }
0x59: {  	s1 =	simm.s32 @!p0 $0x4  }
0x5a: {  	_ =	swait.ge @!p0 [sflag:s1], $0x500  }
0x5b: {  	[sflag:s1] =	ssyncset.done @!p0 $0x0  }
0x5c: {  	[sflag:s1] =	ssyncadd.s32 @!p0 $0xFFFFFB00  }
0x5d: {  	_ =	sfence.sel @!p0 $0x180000  }
0x5e: {  	[bflag:$0x0] =	sbarrier.arrive @!p0 $0xFFFF  }
0x5f: {  	_ =	strace @!p0 $0x90000047  }
0x60: {  	s0 =	sadd.s32 @!p0 $0x100000, s0;
	[bflag:$0x2] =	sbarrier.arrive @!p0 $0xFFFF  }
0x61: {  	[sflag:s0] =	ssyncadd.tile.s32 @!p0 $0x1;
	_ =	shalt @!p0  }
.Ltmp1:
0x62: {  	_ = 	snop;
	(pc) =	sbr.rel .LBB2_2-.Ltmp1, $4  }
0x63: {  	_ = 	snop  }
0x64: {  	_ = 	snop  }
0x65: {  	_ = 	snop  }
0x66: {  	_ = 	snop  }
.Lfunc_end2:
_tile_overlayer_lowered:
.L_overlay_start_2:
0x67: {  	(tag) =	ssettag $0x2  }
0x68: {  	s0 =	rddreg [dreg:$0x0];
	s2 =	stileid.u32  }
0x69: {  	s1 =	rddreg [dreg:$0x1];
	p0 =	sne.s32 s2, $0x0  }
0x6a: {  	s3 =	rddreg [dreg:$0x2];
	[bflag:$0x3] =	sbarrier.arrive $0xFFFF;
	s2 =	simm.s32 @!p0 $0x1C04  }
0x6b: {  	[timem:s3], [sflag:s2] =	dma.local @!p0 [hbm:s0], s1  }
0x6c: {  	s0 =	simm.s32 @!p0 $0x4  }
0x6d: {  	_ =	swait.ge @!p0 [sflag:s0], s1  }
0x6e: {  	s1 =	ssub.s32 @!p0 $0x0, s1;
	[sflag:s0] =	ssyncset.done @!p0 $0x0  }
0x6f: {  	[sflag:s0] =	ssyncadd.s32 @!p0 s1  }
0x70: {  	[bflag:$0x3] =	sbarrier.arrive $0xFFFF  }
0x71: {  	_ =	shalt  }

</sc_bundles>
